<compile_context>
chip_gen: v7x
topology: tpu7x:2x2x1
jax: 0.10.2.dev20260603
libtpu: 0.0.44.dev20260713+nightly
codegen_flags: <defaults>
</compile_context>

<pallas_src>
import functools

import jax
import jax.numpy as jnp
from jax import lax
from jax.experimental import pallas as pl
from jax.experimental.pallas import tpu as pltpu
from jax.experimental.pallas import tpu_sc as plsc

N_CAT = 26
VP1 = 100001
EMB = 32
BATCH = 16384
RWS = N_CAT * EMB

_NUM_CORES = 2
_NUM_SUBCORES = 16
_FPC = N_CAT // _NUM_CORES


_CH = 25088
_NCH = (VP1 + _CH - 1) // _CH


def _max_body(tab_ref, out_ref):
    k = pl.program_id(1)
    blk = jnp.abs(tab_ref[...])
    col = lax.broadcasted_iota(jnp.int32, blk.shape, 1) + k * _CH
    blk = jnp.where(col < VP1, blk, 0.0)
    m = jnp.max(blk)

    @pl.when(k == 0)
    def _():
        out_ref[0, 0, :] = jnp.full((128,), m)

    @pl.when(k > 0)
    def _():
        out_ref[0, 0, :] = jnp.maximum(out_ref[0, 0, :], m)


def _field_maxes(tab_t):
    return pl.pallas_call(
        _max_body,
        grid=(N_CAT, _NCH),
        in_specs=[pl.BlockSpec((EMB, _CH), lambda f, k: (f, k))],
        out_specs=pl.BlockSpec((1, 1, 128), lambda f, k: (f, 0, 0)),
        out_shape=jax.ShapeDtypeStruct((N_CAT, 1, 128), jnp.float32),
    )(tab_t)



_OB = 8192


def _sc_gather(x_t, tab_t):
    mesh = plsc.VectorSubcoreMesh(core_axis_name="c", subcore_axis_name="s")

    @functools.partial(
        pl.kernel,
        mesh=mesh,
        compiler_params=pltpu.CompilerParams(
            use_tc_tiling_on_sc=True, needs_layout_passes=False
        ),
        out_type=jax.ShapeDtypeStruct((RWS, BATCH), jnp.float32),
        scratch_types=[
            pltpu.VMEM((VP1,), jnp.float32),
            pltpu.VMEM((_OB,), jnp.int32),
            pltpu.VMEM((_OB,), jnp.float32),
        ],
    )
    def k(x_hbm, tab_hbm, raw_hbm, tvec_v, xcol_v, obuf_v):
        c = lax.axis_index("c")
        s = lax.axis_index("s")

        def field_body(tf, carry):
            f = c * _FPC + tf

            def j_body(jj, carry):
                r = f * EMB + s + _NUM_SUBCORES * jj
                pltpu.sync_copy(tab_hbm.at[r], tvec_v)

                def b_body(bc, carry):
                    b0 = bc * _OB
                    pltpu.sync_copy(x_hbm.at[f, pl.ds(b0, _OB)], xcol_v)

                    def v_body(v, carry):
                        iv = xcol_v[pl.ds(v * 16, 16)] + 1
                        obuf_v[pl.ds(v * 16, 16)] = plsc.load_gather(
                            tvec_v, [iv]
                        )
                        return carry

                    lax.fori_loop(0, _OB // 16, v_body, 0)
                    pltpu.sync_copy(obuf_v, raw_hbm.at[r, pl.ds(b0, _OB)])
                    return carry

                return lax.fori_loop(0, BATCH // _OB, b_body, carry)

            return lax.fori_loop(0, 2, j_body, carry)

        lax.fori_loop(0, _FPC, field_body, 0)

    return k(x_t, tab_t)



_BS = 2048


def _scale_body(raw_ref, max_ref, out_ref):
    s = 0.2 / max_ref[0, 0, 0]
    e = raw_ref[...]
    z2 = (e * e) * (s * s)
    p = z2 * (-17.0 / 315.0) + (2.0 / 15.0)
    p = z2 * p + (-1.0 / 3.0)
    p = z2 * p + 1.0
    out_ref[...] = (e * s) * p


def _apply_tanh(raw, maxes):
    return pl.pallas_call(
        _scale_body,
        grid=(N_CAT,),
        in_specs=[
            pl.BlockSpec((EMB, BATCH), lambda f: (f, 0)),
            pl.BlockSpec((1, 1, 128), lambda f: (f, 0, 0)),
        ],
        out_specs=pl.BlockSpec((EMB, BATCH), lambda f: (f, 0)),
        out_shape=jax.ShapeDtypeStruct((RWS, BATCH), jnp.float32),
    )(raw, maxes)


def kernel(x, tables):
    tab_t = jnp.transpose(tables, (0, 2, 1)).reshape(RWS, VP1)
    x_t = jnp.transpose(x)
    maxes = _field_maxes(tab_t)
    raw = _sc_gather(x_t, tab_t)
    out_t = _apply_tanh(raw, maxes)
    return jnp.transpose(out_t.reshape(N_CAT, EMB, BATCH), (2, 0, 1))

# --- scband reference (transcript-rebuilt; emitter-appended) ---
"""Pipeline reference for scband-embedder-1812476198995 (READ-ONLY COPY).

The authoritative reference and input builder live on the scoring server;
editing this copy changes nothing except your own understanding.
"""

import jax, jax.numpy as jnp
import numpy as np

N_CAT = 26
VOCAB = 100000
EMB_DIM = 32
BATCH = 16384


def setup_inputs(seed: int = 0) -> dict:
    key = jax.random.key(seed)
    kx, kt = jax.random.split(key)
    x = jax.random.randint(kx, (BATCH, N_CAT), 0, VOCAB, dtype=jnp.int32)
    # 26 embedding tables of shape [VOCAB+1, EMB_DIM], stacked. torch nn.Embedding init ~ N(0,1).
    tables = jax.random.normal(kt, (N_CAT, VOCAB + 1, EMB_DIM), dtype=jnp.float32)
    return {"x": x, "tables": tables}


def reference(x, tables):
    # Faithful translation of Embedder.forward with d == n_cat_features
    # (all columns categorical, so the dense passthrough loop is empty).
    idx = x.astype(jnp.int32) + 1

    def per_field(table, ids):
        # init_max is computed from the (initial) weights and detached in torch
        init_max = jax.lax.stop_gradient(jnp.max(jnp.abs(table)))
        e = jnp.take(table, ids, axis=0)  # embedding lookup -> [BATCH, EMB_DIM]
        return jnp.tanh(0.2 * e / init_max)

    # vmap over the 26 categorical fields -> out[:, f, :]
    out = jax.vmap(per_field, in_axes=(0, 1), out_axes=1)(tables, idx)
    return out  # [BATCH, N_CAT, EMB_DIM]

if __name__ == "__main__":
    import jax
    _d = setup_inputs()
    print(jax.jit(kernel)(*tuple(_d.values())))

</pallas_src>

<mosaic_0001>
#map = affine_map<(d0, d1) -> (0, 0)>
module attributes {stable_mosaic.version = 14 : i64} {
  func.func @k(%arg0: i32, %arg1: i32, %arg2: memref<26x16384xi32, #tpu.memory_space<hbm>>, %arg3: memref<832x100001xf32, #tpu.memory_space<hbm>>, %arg4: memref<832x16384xf32, #tpu.memory_space<hbm>>, %arg5: memref<100001xf32, #tpu.memory_space<vmem>>, %arg6: memref<8192xi32, #tpu.memory_space<vmem>>, %arg7: memref<8192xf32, #tpu.memory_space<vmem>>) attributes {dimension_semantics = [#tpu.dimension_semantics<core_parallel>, #tpu.dimension_semantics<subcore_parallel>], iteration_bounds = array<i64: 2, 16>, scalar_prefetch = 0 : i64, scratch_operands = 3 : i64, tpu.core_type = #tpu.core_type<sc_vector_subcore>, window_params = [{transform_indices = #map}, {transform_indices = #map}, {transform_indices = #map}]} {
    %scan3A = arith.constant 0 : i32
    %scan3A_0 = arith.constant 0 : i32
    %scan3A_1 = arith.constant 13 : i32
    %scan3A_2 = arith.addi %scan3A_0, %scan3A_1 : i32
    %scan3A_3 = arith.constant 1 : i32
    scf.for %scan3A_5 = %scan3A_0 to %scan3A_2 step %scan3A_3  : i32 {
      %mul3A = arith.constant 13 : i32
      %mul3A_6 = arith.muli %arg0, %mul3A : i32
      %add3A = arith.addi %mul3A_6, %scan3A_5 : i32
      %scan3A_7 = arith.constant 0 : i32
      %scan3A_8 = arith.constant 2 : i32
      %scan3A_9 = arith.addi %scan3A_7, %scan3A_8 : i32
      %scan3A_10 = arith.constant 1 : i32
      scf.for %scan3A_12 = %scan3A_7 to %scan3A_9 step %scan3A_10  : i32 {
        %mul3A_13 = arith.constant 32 : i32
        %mul3A_14 = arith.muli %add3A, %mul3A_13 : i32
        %add3A_15 = arith.addi %mul3A_14, %arg1 : i32
        %mul3A_16 = arith.constant 16 : i32
        %mul3A_17 = arith.muli %mul3A_16, %scan3A_12 : i32
        %add3A_18 = arith.addi %add3A_15, %mul3A_17 : i32
        "tpu.region"() ({
          %run_scoped3A = tpu.sem_alloc : memref<!tpu.dma_semaphore, #tpu.memory_space<semaphore_mem>>
          %dma_start3A = arith.constant 0 : i32
          %dma_start3A_24 = tpu.memref_slice %arg3[%add3A_18, %dma_start3A] : memref<832x100001xf32, #tpu.memory_space<hbm>> -> memref<1x100001xf32, #tpu.memory_space<hbm>>
          %dma_start3A_25 = tpu.memref_squeeze %dma_start3A_24 : memref<1x100001xf32, #tpu.memory_space<hbm>> -> memref<100001xf32, #tpu.memory_space<hbm>>
          %dma_start3A_26 = arith.constant 0 : i32
          %dma_start3A_27 = tpu.memref_slice %arg3[%add3A_18, %dma_start3A_26] : memref<832x100001xf32, #tpu.memory_space<hbm>> -> memref<1x100001xf32, #tpu.memory_space<hbm>>
          %dma_start3A_28 = tpu.memref_squeeze %dma_start3A_27 : memref<1x100001xf32, #tpu.memory_space<hbm>> -> memref<100001xf32, #tpu.memory_space<hbm>>
          tpu.enqueue_dma source(%dma_start3A_28 : memref<100001xf32, #tpu.memory_space<hbm>>) target(%arg5 : memref<100001xf32, #tpu.memory_space<vmem>>) target_semaphore(%run_scoped3A : memref<!tpu.dma_semaphore, #tpu.memory_space<semaphore_mem>>)
          %dma_wait3A = arith.constant 0 : i32
          %dma_wait3A_29 = tpu.memref_slice %arg3[%add3A_18, %dma_wait3A] : memref<832x100001xf32, #tpu.memory_space<hbm>> -> memref<1x100001xf32, #tpu.memory_space<hbm>>
          %dma_wait3A_30 = tpu.memref_squeeze %dma_wait3A_29 : memref<1x100001xf32, #tpu.memory_space<hbm>> -> memref<100001xf32, #tpu.memory_space<hbm>>
          %dma_wait3A_31 = arith.constant 0 : i32
          %dma_wait3A_32 = tpu.memref_slice %arg3[%add3A_18, %dma_wait3A_31] : memref<832x100001xf32, #tpu.memory_space<hbm>> -> memref<1x100001xf32, #tpu.memory_space<hbm>>
          %dma_wait3A_33 = tpu.memref_squeeze %dma_wait3A_32 : memref<1x100001xf32, #tpu.memory_space<hbm>> -> memref<100001xf32, #tpu.memory_space<hbm>>
          tpu.wait_dma2 semaphore(%run_scoped3A : memref<!tpu.dma_semaphore, #tpu.memory_space<semaphore_mem>>) src(%dma_wait3A_33 : memref<100001xf32, #tpu.memory_space<hbm>>) dst(%arg5 : memref<100001xf32, #tpu.memory_space<vmem>>)
          tpu.yield
        }) : () -> ()
        %scan3A_19 = arith.constant 0 : i32
        %scan3A_20 = arith.constant 2 : i32
        %scan3A_21 = arith.addi %scan3A_19, %scan3A_20 : i32
        %scan3A_22 = arith.constant 1 : i32
        scf.for %scan3A_24 = %scan3A_19 to %scan3A_21 step %scan3A_22  : i32 {
          %mul3A_25 = arith.constant 8192 : i32
          %mul3A_26 = arith.muli %scan3A_24, %mul3A_25 : i32
          "tpu.region"() ({
            %run_scoped3A = tpu.sem_alloc : memref<!tpu.dma_semaphore, #tpu.memory_space<semaphore_mem>>
            %dma_start3A = tpu.memref_slice %arg2[%add3A, %mul3A_26] : memref<26x16384xi32, #tpu.memory_space<hbm>> -> memref<1x8192xi32, #tpu.memory_space<hbm>>
            %dma_start3A_33 = tpu.memref_squeeze %dma_start3A : memref<1x8192xi32, #tpu.memory_space<hbm>> -> memref<8192xi32, #tpu.memory_space<hbm>>
            %dma_start3A_34 = tpu.memref_slice %arg2[%add3A, %mul3A_26] : memref<26x16384xi32, #tpu.memory_space<hbm>> -> memref<1x8192xi32, #tpu.memory_space<hbm>>
            %dma_start3A_35 = tpu.memref_squeeze %dma_start3A_34 : memref<1x8192xi32, #tpu.memory_space<hbm>> -> memref<8192xi32, #tpu.memory_space<hbm>>
            tpu.enqueue_dma source(%dma_start3A_35 : memref<8192xi32, #tpu.memory_space<hbm>>) target(%arg6 : memref<8192xi32, #tpu.memory_space<vmem>>) target_semaphore(%run_scoped3A : memref<!tpu.dma_semaphore, #tpu.memory_space<semaphore_mem>>)
            %dma_wait3A = tpu.memref_slice %arg2[%add3A, %mul3A_26] : memref<26x16384xi32, #tpu.memory_space<hbm>> -> memref<1x8192xi32, #tpu.memory_space<hbm>>
            %dma_wait3A_36 = tpu.memref_squeeze %dma_wait3A : memref<1x8192xi32, #tpu.memory_space<hbm>> -> memref<8192xi32, #tpu.memory_space<hbm>>
            %dma_wait3A_37 = tpu.memref_slice %arg2[%add3A, %mul3A_26] : memref<26x16384xi32, #tpu.memory_space<hbm>> -> memref<1x8192xi32, #tpu.memory_space<hbm>>
            %dma_wait3A_38 = tpu.memref_squeeze %dma_wait3A_37 : memref<1x8192xi32, #tpu.memory_space<hbm>> -> memref<8192xi32, #tpu.memory_space<hbm>>
            tpu.wait_dma2 semaphore(%run_scoped3A : memref<!tpu.dma_semaphore, #tpu.memory_space<semaphore_mem>>) src(%dma_wait3A_38 : memref<8192xi32, #tpu.memory_space<hbm>>) dst(%arg6 : memref<8192xi32, #tpu.memory_space<vmem>>)
            tpu.yield
          }) : () -> ()
          %scan3A_27 = arith.constant 0 : i32
          %scan3A_28 = arith.constant 0 : i32
          %scan3A_29 = arith.constant 512 : i32
          %scan3A_30 = arith.addi %scan3A_28, %scan3A_29 : i32
          %scan3A_31 = arith.constant 1 : i32
          scf.for %scan3A_33 = %scan3A_28 to %scan3A_30 step %scan3A_31  : i32 {
            %mul3A_34 = arith.constant 16 : i32
            %mul3A_35 = arith.muli %scan3A_33, %mul3A_34 : i32
            %get3A = arith.index_cast %mul3A_35 : i32 to index
            %get3A_36 = tpu.vector_load %arg6[%get3A] {strides = array<i32>} : memref<8192xi32, #tpu.memory_space<vmem>>, vector<16xi32>,
            %add3A_37 = arith.constant 1 : i32
            %add3A_38 = vector.broadcast %add3A_37 : i32 to vector<16xi32>
            %add3A_39 = arith.addi %get3A_36, %add3A_38 : vector<16xi32>
            %gather3A = tpu.vector_load_idx %arg5[%add3A_39] : memref<100001xf32, #tpu.memory_space<vmem>>[vector<16xi32>], vector<16xf32>,
            %mul3A_40 = arith.constant 16 : i32
            %mul3A_41 = arith.muli %scan3A_33, %mul3A_40 : i32
            %swap3A = arith.index_cast %mul3A_41 : i32 to index
            %swap3A_42 = tpu.vector_load %arg7[%swap3A] {strides = array<i32>} : memref<8192xf32, #tpu.memory_space<vmem>>, vector<16xf32>,
            tpu.vector_store %arg7[%swap3A], %gather3A {strides = array<i32>} : memref<8192xf32, #tpu.memory_space<vmem>>, vector<16xf32>,
          }
          %scan3A_32 = arith.constant 512 : i32
          "tpu.region"() ({
            %run_scoped3A = tpu.sem_alloc : memref<!tpu.dma_semaphore, #tpu.memory_space<semaphore_mem>>
            %dma_start3A = tpu.memref_slice %arg4[%add3A_18, %mul3A_26] : memref<832x16384xf32, #tpu.memory_space<hbm>> -> memref<1x8192xf32, #tpu.memory_space<hbm>>
            %dma_start3A_33 = tpu.memref_squeeze %dma_start3A : memref<1x8192xf32, #tpu.memory_space<hbm>> -> memref<8192xf32, #tpu.memory_space<hbm>>
            %dma_start3A_34 = tpu.memref_slice %arg4[%add3A_18, %mul3A_26] : memref<832x16384xf32, #tpu.memory_space<hbm>> -> memref<1x8192xf32, #tpu.memory_space<hbm>>
            %dma_start3A_35 = tpu.memref_squeeze %dma_start3A_34 : memref<1x8192xf32, #tpu.memory_space<hbm>> -> memref<8192xf32, #tpu.memory_space<hbm>>
            tpu.enqueue_dma source(%arg7 : memref<8192xf32, #tpu.memory_space<vmem>>) target(%dma_start3A_35 : memref<8192xf32, #tpu.memory_space<hbm>>) target_semaphore(%run_scoped3A : memref<!tpu.dma_semaphore, #tpu.memory_space<semaphore_mem>>)
            %dma_wait3A = tpu.memref_slice %arg4[%add3A_18, %mul3A_26] : memref<832x16384xf32, #tpu.memory_space<hbm>> -> memref<1x8192xf32, #tpu.memory_space<hbm>>
            %dma_wait3A_36 = tpu.memref_squeeze %dma_wait3A : memref<1x8192xf32, #tpu.memory_space<hbm>> -> memref<8192xf32, #tpu.memory_space<hbm>>
            %dma_wait3A_37 = tpu.memref_slice %arg4[%add3A_18, %mul3A_26] : memref<832x16384xf32, #tpu.memory_space<hbm>> -> memref<1x8192xf32, #tpu.memory_space<hbm>>
            %dma_wait3A_38 = tpu.memref_squeeze %dma_wait3A_37 : memref<1x8192xf32, #tpu.memory_space<hbm>> -> memref<8192xf32, #tpu.memory_space<hbm>>
            tpu.wait_dma2 semaphore(%run_scoped3A : memref<!tpu.dma_semaphore, #tpu.memory_space<semaphore_mem>>) src(%arg7 : memref<8192xf32, #tpu.memory_space<vmem>>) dst(%dma_wait3A_38 : memref<8192xf32, #tpu.memory_space<hbm>>)
            tpu.yield
          }) : () -> ()
        }
        %scan3A_23 = arith.constant 2 : i32
      }
      %scan3A_11 = arith.constant 2 : i32
    }
    %scan3A_4 = arith.constant 13 : i32
    return
  }
}

module attributes {stable_mosaic.version = 14 : i64} {
  func.func @_scale_body(%arg0: i32, %arg1: memref<32x16384xf32, #tpu.memory_space<vmem>>, %arg2: memref<1x1x128xf32, #tpu.memory_space<vmem>>, %arg3: memref<32x16384xf32, #tpu.memory_space<vmem>>) attributes {dimension_semantics = [#tpu.dimension_semantics<arbitrary>], iteration_bounds = array<i64: 26>, scalar_prefetch = 0 : i64, scratch_operands = 0 : i64, tpu.core_type = #tpu.core_type<tc>, window_params = [{transform_indices = @transform_0, window_bounds = array<i64: 32, 16384>}, {transform_indices = @transform_1, window_bounds = array<i64: 1, 1, 128>}, {transform_indices = @transform_2, window_bounds = array<i64: 32, 16384>}]} {
    %get3A = arith.constant 0 : index
    %get3A_0 = arith.constant 0 : index
    %get3A_1 = arith.constant 0 : index
    %get3A_2 = vector.load %arg2[%get3A, %get3A_0, %get3A_1] : memref<1x1x128xf32, #tpu.memory_space<vmem>>, vector<1x1x1xf32>
    %get3A_3 = vector.extract %get3A_2[0, 0, 0] : f32 from vector<1x1x1xf32>
    %div3A = arith.constant 2.000000e-01 : f32
    %div3A_4 = arith.divf %div3A, %get3A_3 : f32
    %get3A_5 = arith.constant 0 : index
    %get3A_6 = arith.constant 0 : index
    %get3A_7 = vector.load %arg1[%get3A_5, %get3A_6] : memref<32x16384xf32, #tpu.memory_space<vmem>>, vector<32x16384xf32>
    %mul3A = arith.mulf %get3A_7, %get3A_7 : vector<32x16384xf32>
    %mul3A_8 = arith.mulf %div3A_4, %div3A_4 : f32
    %mul3A_9 = vector.broadcast %mul3A_8 : f32 to vector<32x16384xf32>
    %mul3A_10 = arith.mulf %mul3A, %mul3A_9 : vector<32x16384xf32>
    %mul3A_11 = arith.constant -0.0539682545 : f32
    %mul3A_12 = vector.broadcast %mul3A_11 : f32 to vector<32x16384xf32>
    %mul3A_13 = arith.mulf %mul3A_10, %mul3A_12 : vector<32x16384xf32>
    %add3A = arith.constant 0.13333334 : f32
    %add3A_14 = vector.broadcast %add3A : f32 to vector<32x16384xf32>
    %add3A_15 = arith.addf %mul3A_13, %add3A_14 : vector<32x16384xf32>
    %mul3A_16 = arith.mulf %mul3A_10, %add3A_15 : vector<32x16384xf32>
    %add3A_17 = arith.constant -0.333333343 : f32
    %add3A_18 = vector.broadcast %add3A_17 : f32 to vector<32x16384xf32>
    %add3A_19 = arith.addf %mul3A_16, %add3A_18 : vector<32x16384xf32>
    %mul3A_20 = arith.mulf %mul3A_10, %add3A_19 : vector<32x16384xf32>
    %add3A_21 = arith.constant 1.000000e+00 : f32
    %add3A_22 = vector.broadcast %add3A_21 : f32 to vector<32x16384xf32>
    %add3A_23 = arith.addf %mul3A_20, %add3A_22 : vector<32x16384xf32>
    %mul3A_24 = vector.broadcast %div3A_4 : f32 to vector<32x16384xf32>
    %mul3A_25 = arith.mulf %get3A_7, %mul3A_24 : vector<32x16384xf32>
    %mul3A_26 = arith.mulf %mul3A_25, %add3A_23 : vector<32x16384xf32>
    %swap3A = arith.constant 0 : index
    %swap3A_27 = arith.constant 0 : index
    %swap3A_28 = vector.load %arg3[%swap3A, %swap3A_27] : memref<32x16384xf32, #tpu.memory_space<vmem>>, vector<32x16384xf32>
    tpu.vector_store %arg3[%swap3A, %swap3A_27], %mul3A_26 {strides = array<i32>} : memref<32x16384xf32, #tpu.memory_space<vmem>>, vector<32x16384xf32>,
    return
  }
  func.func @transform_0(%arg0: i32) -> (i32, i32) {
    %c0_i32 = arith.constant 0 : i32
    %c0_i32_0 = arith.constant 0 : i32
    return %arg0, %c0_i32 : i32, i32
  }
  func.func @transform_1(%arg0: i32) -> (i32, i32, i32) {
    %c0_i32 = arith.constant 0 : i32
    %c0_i32_0 = arith.constant 0 : i32
    %c0_i32_1 = arith.constant 0 : i32
    return %arg0, %c0_i32, %c0_i32_0 : i32, i32, i32
  }
  func.func @transform_2(%arg0: i32) -> (i32, i32) {
    %c0_i32 = arith.constant 0 : i32
    %c0_i32_0 = arith.constant 0 : i32
    return %arg0, %c0_i32 : i32, i32
  }
}

module attributes {stable_mosaic.version = 14 : i64} {
  func.func @_max_body(%arg0: i32, %arg1: i32, %arg2: memref<32x25088xf32, #tpu.memory_space<vmem>>, %arg3: memref<1x1x128xf32, #tpu.memory_space<vmem>>) attributes {dimension_semantics = [#tpu.dimension_semantics<arbitrary>, #tpu.dimension_semantics<arbitrary>], iteration_bounds = array<i64: 26, 4>, scalar_prefetch = 0 : i64, scratch_operands = 0 : i64, tpu.core_type = #tpu.core_type<tc>, window_params = [{transform_indices = @transform_0, window_bounds = array<i64: 32, 25088>}, {transform_indices = @transform_1, window_bounds = array<i64: 1, 1, 128>}]} {
    %get3A = arith.constant 0 : index
    %get3A_0 = arith.constant 0 : index
    %get3A_1 = vector.load %arg2[%get3A, %get3A_0] : memref<32x25088xf32, #tpu.memory_space<vmem>>, vector<32x25088xf32>
    %abs3A = math.absf %get3A_1 : vector<32x25088xf32>
    %iota3A = tpu.iota {dimensions = array<i32: 1>} : vector<32x25088xi32>
    %mul3A = arith.constant 25088 : i32
    %mul3A_2 = arith.muli %arg1, %mul3A : i32
    %add3A = vector.broadcast %mul3A_2 : i32 to vector<32x25088xi32>
    %add3A_3 = arith.addi %iota3A, %add3A : vector<32x25088xi32>
    %lt3A = arith.constant 100001 : i32
    %lt3A_4 = vector.broadcast %lt3A : i32 to vector<32x25088xi32>
    %lt3A_5 = arith.cmpi slt, %add3A_3, %lt3A_4 : vector<32x25088xi32>
    %jit3A = arith.constant 0.000000e+00 : f32
    %broadcast_in_dim3A = vector.broadcast %jit3A : f32 to vector<32x25088xf32>
    %select_n3A = arith.select %lt3A_5, %abs3A, %broadcast_in_dim3A : vector<32x25088xi1>, vector<32x25088xf32>
    %reduce_max3A = vector.shape_cast %select_n3A : vector<32x25088xf32> to vector<1x32x25088xf32>
    %reduce_max3A_6 = arith.constant dense<0xFF800000> : vector<1xf32>
    %reduce_max3A_7 = vector.multi_reduction <maximumf>, %reduce_max3A, %reduce_max3A_6 [1, 2] : vector<1x32x25088xf32> to vector<1xf32>
    %reduce_max3A_8 = vector.shape_cast %reduce_max3A_7 : vector<1xf32> to vector<1x1x1xf32>
    %reduce_max3A_9 = vector.extract %reduce_max3A_8[0, 0, 0] : f32 from vector<1x1x1xf32>
    %eq3A = arith.constant 0 : i32
    %eq3A_10 = arith.cmpi eq, %arg1, %eq3A : i32
    %convert_element_type3A = arith.extui %eq3A_10 : i1 to i32
    %cond3A = arith.constant 0 : i32
    %cond3A_11 = arith.cmpi ne, %convert_element_type3A, %cond3A : i32
    scf.if %cond3A_11 {
      %broadcast_in_dim3A_16 = vector.broadcast %reduce_max3A_9 : f32 to vector<128xf32>
      %swap3A = arith.constant 0 : index
      %swap3A_17 = arith.constant 0 : index
      %swap3A_18 = arith.constant 0 : index
      %swap3A_19 = vector.load %arg3[%swap3A, %swap3A_17, %swap3A_18] : memref<1x1x128xf32, #tpu.memory_space<vmem>>, vector<1x1x128xf32>
      %swap3A_20 = vector.shape_cast %swap3A_19 : vector<1x1x128xf32> to vector<128xf32>
      %swap3A_21 = vector.shape_cast %broadcast_in_dim3A_16 : vector<128xf32> to vector<1x1x128xf32>
      tpu.vector_store %arg3[%swap3A, %swap3A_17, %swap3A_18], %swap3A_21 {strides = array<i32>} : memref<1x1x128xf32, #tpu.memory_space<vmem>>, vector<1x1x128xf32>,
    } else {
    }
    %gt3A = arith.constant 0 : i32
    %gt3A_12 = arith.cmpi sgt, %arg1, %gt3A : i32
    %convert_element_type3A_13 = arith.extui %gt3A_12 : i1 to i32
    %cond3A_14 = arith.constant 0 : i32
    %cond3A_15 = arith.cmpi ne, %convert_element_type3A_13, %cond3A_14 : i32
    scf.if %cond3A_15 {
      %get3A_16 = arith.constant 0 : index
      %get3A_17 = arith.constant 0 : index
      %get3A_18 = arith.constant 0 : index
      %get3A_19 = vector.load %arg3[%get3A_16, %get3A_17, %get3A_18] : memref<1x1x128xf32, #tpu.memory_space<vmem>>, vector<1x1x128xf32>
      %get3A_20 = vector.shape_cast %get3A_19 : vector<1x1x128xf32> to vector<128xf32>
      %max3A = vector.broadcast %reduce_max3A_9 : f32 to vector<128xf32>
      %max3A_21 = arith.maximumf %get3A_20, %max3A : vector<128xf32>
      %swap3A = arith.constant 0 : index
      %swap3A_22 = arith.constant 0 : index
      %swap3A_23 = arith.constant 0 : index
      %swap3A_24 = vector.load %arg3[%swap3A, %swap3A_22, %swap3A_23] : memref<1x1x128xf32, #tpu.memory_space<vmem>>, vector<1x1x128xf32>
      %swap3A_25 = vector.shape_cast %swap3A_24 : vector<1x1x128xf32> to vector<128xf32>
      %swap3A_26 = vector.shape_cast %max3A_21 : vector<128xf32> to vector<1x1x128xf32>
      tpu.vector_store %arg3[%swap3A, %swap3A_22, %swap3A_23], %swap3A_26 {strides = array<i32>} : memref<1x1x128xf32, #tpu.memory_space<vmem>>, vector<1x1x128xf32>,
    } else {
    }
    return
  }
  func.func @transform_0(%arg0: i32, %arg1: i32) -> (i32, i32) {
    %c0_i32 = arith.constant 0 : i32
    return %arg0, %arg1 : i32, i32
  }
  func.func @transform_1(%arg0: i32, %arg1: i32) -> (i32, i32, i32) {
    %c0_i32 = arith.constant 0 : i32
    %c0_i32_0 = arith.constant 0 : i32
    %c0_i32_1 = arith.constant 0 : i32
    return %arg0, %c0_i32, %c0_i32_0 : i32, i32, i32
  }
}

</mosaic_0001>

<sc_bundles>
// kernel: kernel.5.cloned.1.call-start
scs
__scs_entry_jumppad:
0x0: {  	(pc) =	sbr.rel $0x88, $3  }
0x1: {  	(tag) =	ssettag $0x0;
	lr =	simm.s32 $0x1  }
0x2: {  	[smem:$0x3F9F] =	sst lr;
	_ =	strace $0xD0000000  }
0x3: {  	_ = 	snop  }
0x4: {  	_ = 	snop  }
0x5: {  	_ = 	snop  }
0x6: {  	_ = 	snop  }
0x7: {  	_ = 	snop  }
__scs_overlays_trampoline_lowered:
0x8: {  	[smem:$0x3FAE] =	sst s0  }
0x9: {  	[smem:$0x3FAF] =	sst s1  }
0xa: {  	[smem:$0x3FB0] =	sst s2  }
0xb: {  	[smem:$0x3FB1] =	sst s3  }
0xc: {  	[smem:$0x3FB2] =	sst s4  }
0xd: {  	[smem:$0x3FB3] =	sst s5  }
0xe: {  	[smem:$0x3FB4] =	sst s6  }
0xf: {  	[smem:$0x3FB5] =	sst s7  }
0x10: {  	[smem:$0x3FB6] =	sst s8  }
0x11: {  	[smem:$0x3FB7] =	sst s9;
	s0 =	simm.s32 @!p0 $0x0  }
0x12: {  	s1 =	sld [smem:$0x3F9D];
	s0 =	simm.s32 @p0 $0x1  }
0x13: {  	[smem:$0x3FB8] =	sst s0;
	s0 =	simm.s32 @!p1 $0x0  }
0x14: {  	s2 =	sld [smem:$0x3F9C];
	s0 =	simm.s32 @p1 $0x1  }
0x15: {  	[smem:$0x3FB9] =	sst s0;
	s0 =	simm.s32 @!p2 $0x0  }
0x16: {  	s3 =	sld [smem:$0x3FDB];
	s0 =	simm.s32 @p2 $0x1  }
0x17: {  	s4 =	simm.s32 $0x1BF5;
	[smem:$0x3FBB] =	sst s0  }
0x18: {  	s0 =	sld [smem:$0x3F9E];
	_ =	swait.ge [sflag:s4], $0x0  }
0x19: {  	s7 =	sld [smem:$0x3F9F]  }
0x1a: {  	s8 =	sadd.s32 $0xFFFFE003, lr  }
0x1b: {  	s9 =	sadd.s32 $0xFFFFFEF7, lr;
	s5 =	simm.s32 $0xFFFFFFFF;
	p2 =	slt.u32 s8, $0xFFFFF086  }
0x1c: {  	p1 =	slt.u32 s9, $0xF7A;
	s5 =	simm.s32 @!p2 $0x0  }
0x1d: {  	s5 =	simm.s32 @p1 $0x1;
	p0 =	seq.s32 s7, s2  }
0x1e: {  	s7 =	smul.u32 @!p0 $0xF7A, s2;
	p2 =	seq.s32 @!p0 s5, $0x0  }
0x1f: {  	s9 =	smul.u32 $0xF7A, s1;
	s8 =	simm.s32 @!p0 $0x1BF5;
	p2 =	por !p2, p0  }
0x20: {  	[sflag:s8] =	ssyncset.s32 @!p0 $0xFFFFF086;
	s6 =	sadd.s32 @!p0 s3, s7;
	s7 =	simm.s32 @!p0 $0x108  }
0x21: {  	s3 =	sadd.s32 s3, s9;
	s6 =	sadd.s32 @!p0 $0x88, s6;
	s7 =	simm.s32 @p2 $0x1082  }
0x22: {  	[simem:s7], [sflag:s8] =	dma.local @!p0 [hbm:s6], $0xF7A  }
0x23: {  	s9 =	sor.u32 $0xD0000000, s2;
	s6 =	simm.s32 $0x108;
	_ =	swait.ge @!p0 [sflag:s8], $0x0  }
0x24: {  	s3 =	sadd.s32 $0x88, s3;
	s6 =	simm.s32 @!p1 $0x1082;
	[sflag:s4] =	ssyncset.s32 $0xFFFFF086  }
0x25: {  	[simem:s6], [sflag:s4] =	dma.local [hbm:s3], $0xF7A  }
0x26: {  	[smem:$0x3F9F] =	sst s1;
	(tag) =	ssettag s2;
	_ =	strace s9  }
0x27: {  	s1 =	sld [smem:$0x3FAF]  }
0x28: {  	s2 =	sld [smem:$0x3FB0]  }
0x29: {  	s4 =	sld [smem:$0x3FB2]  }
0x2a: {  	p0 =	seq.s32 s5, $0x0;
	s5 =	sld [smem:$0x3FB3]  }
0x2b: {  	s6 =	sld [smem:$0x3FB4]  }
0x2c: {  	s7 =	sld [smem:$0x3FB5]  }
0x2d: {  	s3 =	simm.s32 $0x108;
	s8 =	sld [smem:$0x3FB6]  }
0x2e: {  	s3 =	simm.s32 @!p0 $0x1082;
	s9 =	sld [smem:$0x3FB7]  }
0x2f: {  	lr =	sadd.s32 s0, s3;
	s0 =	sld [smem:$0x3FAE]  }
0x30: {  	s3 =	sld [smem:$0x3FB1]  }
0x31: {  	[smem:$0x3FBA] =	sst s10  }
0x32: {  	s10 =	sld [smem:$0x3FB8];
	_ =	sdelay $0x3  }
0x33: {  	p0 =	seq.s32 s10, $0x1;
	s10 =	sld [smem:$0x3FBA];
	_ =	sdelay $0x3  }
0x34: {  	[smem:$0x3FBA] =	sst s10  }
0x35: {  	s10 =	sld [smem:$0x3FB9];
	_ =	sdelay $0x3  }
0x36: {  	p1 =	seq.s32 s10, $0x1;
	s10 =	sld [smem:$0x3FBA];
	_ =	sdelay $0x3  }
0x37: {  	[smem:$0x3FBA] =	sst s10  }
0x38: {  	s10 =	sld [smem:$0x3FBB]  }
0x39: {  	_ = 	snop;
	(pc) =	sbr.ind lr, $3  }
0x3a: {  	_ = 	snop  }
0x3b: {  	_ = 	snop  }
0x3c: {  	p2 =	seq.s32 s10, $0x1;
	s10 =	sld [smem:$0x3FBA]  }
0x3d: {  	_ =	shalt  }
0x3e: {  	_ =	shalt  }
0x3f: {  	_ =	shalt  }
0x40: {  	_ =	shalt  }
0x41: {  	_ =	shalt  }
0x42: {  	_ =	shalt  }
0x43: {  	_ =	shalt  }
0x44: {  	_ =	shalt  }
0x45: {  	_ =	shalt  }
0x46: {  	_ =	shalt  }
0x47: {  	_ =	shalt  }
0x48: {  	_ =	shalt  }
0x49: {  	_ =	shalt  }
0x4a: {  	_ =	shalt  }
0x4b: {  	_ =	shalt  }
0x4c: {  	_ =	shalt  }
0x4d: {  	_ =	shalt  }
0x4e: {  	_ =	shalt  }
0x4f: {  	_ =	shalt  }
0x50: {  	_ =	shalt  }
0x51: {  	_ =	shalt  }
0x52: {  	_ =	shalt  }
0x53: {  	_ =	shalt  }
0x54: {  	_ =	shalt  }
0x55: {  	_ =	shalt  }
0x56: {  	_ =	shalt  }
0x57: {  	_ =	shalt  }
0x58: {  	_ =	shalt  }
0x59: {  	_ =	shalt  }
0x5a: {  	_ =	shalt  }
0x5b: {  	_ =	shalt  }
0x5c: {  	_ =	shalt  }
0x5d: {  	_ =	shalt  }
0x5e: {  	_ =	shalt  }
0x5f: {  	_ =	shalt  }
0x60: {  	_ =	shalt  }
0x61: {  	_ =	shalt  }
0x62: {  	_ =	shalt  }
0x63: {  	_ =	shalt  }
0x64: {  	_ =	shalt  }
0x65: {  	_ =	shalt  }
0x66: {  	_ =	shalt  }
0x67: {  	_ =	shalt  }
0x68: {  	_ =	shalt  }
0x69: {  	_ =	shalt  }
0x6a: {  	_ =	shalt  }
0x6b: {  	_ =	shalt  }
0x6c: {  	_ =	shalt  }
0x6d: {  	_ =	shalt  }
0x6e: {  	_ =	shalt  }
0x6f: {  	_ =	shalt  }
0x70: {  	_ =	shalt  }
0x71: {  	_ =	shalt  }
0x72: {  	_ =	shalt  }
0x73: {  	_ =	shalt  }
0x74: {  	_ =	shalt  }
0x75: {  	_ =	shalt  }
0x76: {  	_ =	shalt  }
0x77: {  	_ =	shalt  }
0x78: {  	_ =	shalt  }
0x79: {  	_ =	shalt  }
0x7a: {  	_ =	shalt  }
0x7b: {  	_ =	shalt  }
0x7c: {  	_ =	shalt  }
0x7d: {  	_ =	shalt  }
0x7e: {  	_ =	shalt  }
0x7f: {  	_ =	shalt  }
0x80: {  	_ =	shalt  }
0x81: {  	_ =	shalt  }
0x82: {  	_ =	shalt  }
0x83: {  	_ =	shalt  }
0x84: {  	_ =	shalt  }
0x85: {  	_ =	shalt  }
0x86: {  	_ =	shalt  }
0x87: {  	_ =	shalt  }
.Lfunc_end0:
.L_simem_size_0:
called_computation_lowered:
.L_overlay_start_0:
0x88: {  	s2 =	sld [smem:$0x3FD9]  }
0x89: {  	s3 =	sld [smem:$0x3FFE];
	_ =	sdelay $0x1  }
0x8a: {  	s1 =	srdreg.scid  }
0x8b: {  	s0 =	sand.u32 $0x1, s1  }
0x8c: {  	s17 =	sshll.u32 s0, $0xA;
	s2 =	sadd.s32 s3, s2  }
0x8d: {  	s2 =	sadd.s32 s2, s17  }
0x8e: {  	[smem:$0x3FC6] =	sst s2  }
0x8f: {  	_ = 	snop  }
0x90: {  	s2 =	sld [smem:$0x3FC9]  }
0x91: {  	s18 =	sld [smem:$0x3FC8];
	(tm) =	ssettm $0x1  }
0x92: {  	s4 =	sld [smem:$0x3FFB];
	_ =	sdelay $0x3  }
0x93: {  	_ =	strace s4  }
0x94: {  	s4 =	sld [smem:$0x3FFC];
	_ =	sdelay $0x3  }
0x95: {  	_ =	strace s4  }
0x96: {  	s4 =	sld [smem:$0x3FFD];
	_ =	sdelay $0x3  }
0x97: {  	_ =	strace s4  }
0x98: {  	_ =	strace $0x8FFFFFFF  }
0x99: {  	s19 =	sld [smem:$0x3FDB];
	_ =	sdelay $0x1  }
0x9a: {  	s5 =	simm.s32 $_scs_section_size  }
0x9b: {  	s6 =	simm.s32 $_size__tile_overlayer_lowered;
	s7 =	simm.s32 $_tile_overlayer_lowered  }
0x9c: {  	s22 =	simm.s32 $0x1BFF;
	s21 =	sshll.u32 s7, $0x1;
	s4 =	sadd.s32 s5, s19  }
0x9d: {  	s8 =	simm.s32 $0x0;
	s20 =	sshll.u32 s6, $0x1;
	s6 =	sadd.s32 s21, s4  }
0x9e: {  	[timem:s8], [sflag:s22] =	dma.local [hbm:s6], s20  }
0x9f: {  	_ =	swait.ge [sflag:s22], s20  }
0xa0: {  	s5 =	ssub.s32 $0x0, s20;
	[sflag:s22] =	ssyncset.done $0x0  }
0xa1: {  	[sflag:s22] =	ssyncadd.s32 s5;
	_ =	sdelay $0x1  }
0xa2: {  	s23 =	simm.s32 $0x1B8B  }
0xa3: {  	_ =	swait.ge [sflag:s23], $0x1  }
0xa4: {  	[sflag:s23] =	ssyncset.done $0x0  }
0xa5: {  	s25 =	simm.s32 $0x1B8E;
	s24 =	sld [smem:$0x3FFE];
	[sflag:s23] =	ssyncadd.s32 $0xFFFFFFFF  }
0xa6: {  	s26 =	simm.s32 $execute0_lowered;
	[smem:$0x3FD2] =	sst s25  }
0xa7: {  	s6 =	sshll.u32 s26, $0x1;
	_ =	strace $0x80000046;
	[dreg:$0x1] =	wrdreg $0xFFFFFFFF  }
0xa8: {  	s28 =	simm.s32 $_size_execute0_lowered;
	s4 =	sadd.s32 s4, s6;
	[dreg:$0x0] =	wrdreg $0x0  }
0xa9: {  	s6 =	sshll.u32 s28, $0x1;
	[dreg:$0x2] =	wrdreg s4  }
0xaa: {  	[dreg:$0x3] =	wrdreg s6  }
0xab: {  	[dreg:$0x4] =	wrdreg $0xC0  }
0xac: {  	_ =	task [dreg:s8], $0x5FFFF  }
0xad: {  	[dreg:$0x1] =	wrdreg $0xFFFFFFFF  }
0xae: {  	[dreg:$0x0] =	wrdreg $0x60  }
0xaf: {  	[dreg:$0x2] =	wrdreg s2  }
0xb0: {  	[dreg:$0x3] =	wrdreg s18  }
0xb1: {  	[dreg:$0x4] =	wrdreg s24  }
0xb2: {  	[dreg:$0x5] =	wrdreg $0x9  }
0xb3: {  	_ =	task.clear_ibuf [dreg:s8], $0x6FFFF;
	_ =	strace $0x90000046  }
0xb4: {  	s29 =	simm.s32 $0x9;
	_ =	strace $0x80000048  }
0xb5: {  	_ =	swait.ge [sflag:s29], $0x1  }
0xb6: {  	[sflag:s29] =	ssyncadd.s32 $0xFFFFFFFF  }
0xb7: {  	_ =	strace $0x90000048  }
0xb8: {  	_ =	sfence  }
0xb9: {  	s30 =	sld [smem:$0x0];
	_ =	sdelay $0x2  }
0xba: {  	s31 =	sshll.u32 s1, $0xD;
	s1 =	sshrl.u32 s1, $0x2  }
0xbb: {  	s3 =	sand.u32 $0x4000, s31;
	s1 =	sadd.s32 s1, s30  }
0xbc: {  	s0 =	sor.u32 s3, s0;
	s1 =	sshll.u32 s1, $0x11  }
0xbd: {  	s0 =	sor.u32 s1, s0  }
0xbe: {  	s0 =	sadd.s32 $0x8F2B, s0  }
0xbf: {  	[sflag:s0] =	ssyncadd.remote.s32 $0x1  }
0xc0: {  	_ =	sfence.sel $0xFFFF  }
0xc1: {  	[dreg:$0x0] =	wrdreg $0xFFFFFFFF;
	(pc) =	sbr.abs _section_cstart, $3  }
0xc2: {  	[dreg:$0x1] =	wrdreg $0xFFFFFFFF  }
0xc3: {  	_ =	task.clear_ibuf [dreg:s8], $0x2FFFF;
	_ =	strace $0x9FFFFFFF  }
0xc4: {  	(tm) =	ssettm $0x7FFFFFFF  }
0xc5: {  	_ =	shalt  }
tec
execute0_lowered:
.L_overlay_start_1:
0x0: {  	(tag) =	ssettag $0x1  }
0x1: {  	s1 =	rddreg [dreg:$0x0]  }
0x2: {  	s2 =	rddreg [dreg:$0x1]  }
0x3: {  	s5 =	rddreg [dreg:$0x2]  }
0x4: {  	s4 =	srdreg.scid;
	s0 =	rddreg [dreg:$0x3];
	s3 =	simm.s32 $0x0  }
0x5: {  	s9 =	simm.s32 $0x80;
	s10 =	simm.s32 $0x400;
	s11 =	simm.s32 $0x1  }
0x6: {  	s12 =	simm.s32 $0x18700;
	s13 =	simm.s32 $0x1A700;
	s6 =	sand.u32 $0x1, s4  }
0x7: {  	s14 =	simm.s32 $0x0;
	[smem:$0x7FF] =	sst s3;
	s7 =	ssub.s32 $0x2, s6  }
0x8: {  	s4 =	stileid.u32;
	s5 =	sadd.s32 $0x400, s5;
	s8 =	sshrl.u32 s7, $0x1  }
0x9: {  	_ =	strace $0x80000047;
	s31 =	sshll.u32 s4, $0x7;
	s8 =	ssub.s32 s7, s8  }
0xa: {  	s6 =	smul.u32 $0xD, s6;
	s7 =	sand.u32 $0x380, s31;
	s8 =	smax.u32 s8, $0x1  }
.LBB2_1:
0xb: {  	s15 =	simm.s32 $0x0  }
.LBB2_2:
0xc: {  	s16 =	sadd.s32 s6, s15  }
0xd: {  	s17 =	sshll.u32 s16, $0x5  }
0xe: {  	s17 =	sor.u32 s4, s17  }
0xf: {  	s18 =	sshrl.u32 s17, $0x3  }
0x10: {  	s17 =	smul.u32 $0xC3800, s18;
	_ =	sdelay $0x1  }
0x11: {  	s20 =	simm.s32 $0x0;
	s17 =	sor.u32 s7, s17  }
0x12: {  	s19 =	sshll.u32 s16, $0x7;
	s16 =	sshll.u32 s16, $0xE;
	s17 =	sshrl.u32 s17, $0x3  }
0x13: {  	s19 =	sand.u32 $0x380, s19;
	s16 =	sand.u32 $0x60000, s16;
	s17 =	sadd.s32 s2, s17  }
0x14: {  	[tilespmem:s20], [sflag:$0x1] =	stream.strided.gather [hbm4b:s17+s9], $0x18700, s10, s9, $0x38;
	[tilespmem:$0x1C700] =	vst v63  }
0x15: {  	s16 =	sor.u32 s19, s16;
	_ =	swait.ge [sflag:s11], $0x18700  }
0x16: {  	s16 =	sshrl.u32 s16, $0x3;
	[sflag:s11] =	ssyncset.done $0x0  }
0x17: {  	s17 =	sadd.s32 s1, s16;
	[sflag:s11] =	ssyncadd.s32 $0xFFFE7900  }
0x18: {  	[tilespmem:s12], [sflag:$0x1] =	stream.strided.gather [hbm4b:s17+s9], $0x2000, s10, s9, $0x38;
	[tilespmem:$0x1C700] =	vst v63  }
0x19: {  	_ =	swait.ge [sflag:s11], $0x2000  }
0x1a: {  	[sflag:s11] =	ssyncset.done $0x0  }
0x1b: {  	s20 =	simm.s32 $0x0;
	[sflag:s11] =	ssyncadd.s32 $0xFFFFE000  }
0x1c: {  	v0 =	vld [tilespmem:s20+$0x18700];
	_ =	sdelay $0x4  }
0x1d: {  	s19 =	simm.s32 $0x10;
	v0 =	vadd.s32 $0x1, v0  }
0x1e: {  	v2 =	vld [tilespmem:s19+$0x18700];
	_ =	sdelay $0x3  }
0x1f: {  	v1 =	vld.idx.msk [tilespmem:v0+s3+$0x0], $0xffff  }
0x20: {  	s22 =	simm.s32 $0x20;
	s21 =	sshll.u32 s18, $0x11;
	v0 =	vadd.s32 $0x1, v2  }
0x21: {  	s23 =	simm.s32 $0xC0;
	s21 =	sor.u32 s7, s21;
	s16 =	sadd.s32 $0x2000, s17  }
.LBB2_3:
0x22: {  	p0 =	sne.s32 s23, $0x7FC0;
	v2 =	vld [tilespmem:s22+$0x18700];
	_ =	sdelay $0x1  }
.Ltmp0:
0x23: {  	[tilespmem:s20+$0x1A700] =	vst v1;
	s20 =	smov.u32 s19;
	s19 =	smov.u32 s22;
	(pc) =	sbr.rel @p0 .LBB2_3-.Ltmp0, $3  }
0x24: {  	v1 =	vld.idx.msk [tilespmem:v0+s3+$0x0], $0xffff;
	_ =	sdelay $0x1  }
0x25: {  	v0 =	vadd.s32 $0x1, v2  }
0x26: {  	s22 =	sshra.s32 s23, $0x2;
	s23 =	sadd.s32 $0x40, s23  }
0x27: {  	v2 =	vld [tilespmem:s22+$0x18700];
	_ =	sdelay $0x2  }
0x28: {  	[tilespmem:s20+$0x1A700] =	vst v1  }
0x29: {  	v0 =	vld.idx.msk [tilespmem:v0+s3+$0x0], $0xffff  }
0x2a: {  	v1 =	vadd.s32 $0x1, v2;
	_ =	sdelay $0x3  }
0x2b: {  	[tilespmem:s19+$0x1A700] =	vst v0  }
0x2c: {  	v0 =	vld.idx.msk [tilespmem:v1+s3+$0x0], $0xffff;
	_ =	sdelay $0x3  }
0x2d: {  	s19 =	sshrl.u32 s21, $0x3  }
0x2e: {  	s31 =	sadd.s32 s5, s19;
	[tilespmem:s22+$0x1A700] =	vst v0  }
0x2f: {  	[hbm4b:s31+s9] =	stream.strided.scatter [tilespmem:s13], [sflag:$0x1], $0x2000, s10, s9, $0x38;
	[tilespmem:$0x1C700] =	vst v63  }
0x30: {  	_ =	swait.ge [sflag:s11], $0x2000  }
0x31: {  	[sflag:s11] =	ssyncset.done $0x0  }
0x32: {  	[sflag:s11] =	ssyncadd.s32 $0xFFFFE000  }
0x33: {  	[tilespmem:s12], [sflag:$0x1] =	stream.strided.gather [hbm4b:s16+s9], $0x2000, s10, s9, $0x38;
	[tilespmem:$0x1C700] =	vst v63  }
0x34: {  	_ =	swait.ge [sflag:s11], $0x2000  }
0x35: {  	[sflag:s11] =	ssyncset.done $0x0  }
0x36: {  	s21 =	simm.s32 $0x0;
	[sflag:s11] =	ssyncadd.s32 $0xFFFFE000  }
0x37: {  	v0 =	vld [tilespmem:s21+$0x18700];
	_ =	sdelay $0x4  }
0x38: {  	s20 =	simm.s32 $0x10;
	v0 =	vadd.s32 $0x1, v0  }
0x39: {  	v2 =	vld [tilespmem:s20+$0x18700];
	_ =	sdelay $0x3  }
0x3a: {  	v1 =	vld.idx.msk [tilespmem:v0+s3+$0x0], $0xffff  }
0x3b: {  	v0 =	vadd.s32 $0x1, v2  }
0x3c: {  	s23 =	simm.s32 $0xC0;
	s22 =	simm.s32 $0x20  }
.LBB2_5:
0x3d: {  	p0 =	sne.s32 s23, $0x7FC0;
	v2 =	vld [tilespmem:s22+$0x18700];
	_ =	sdelay $0x1  }
.Ltmp1:
0x3e: {  	[tilespmem:s21+$0x1A700] =	vst v1;
	s21 =	smov.u32 s20;
	s20 =	smov.u32 s22;
	(pc) =	sbr.rel @p0 .LBB2_5-.Ltmp1, $3  }
0x3f: {  	v1 =	vld.idx.msk [tilespmem:v0+s3+$0x0], $0xffff;
	_ =	sdelay $0x1  }
0x40: {  	v0 =	vadd.s32 $0x1, v2  }
0x41: {  	s22 =	sshra.s32 s23, $0x2;
	s23 =	sadd.s32 $0x40, s23  }
0x42: {  	v2 =	vld [tilespmem:s22+$0x18700];
	_ =	sdelay $0x2  }
0x43: {  	[tilespmem:s21+$0x1A700] =	vst v1  }
0x44: {  	v0 =	vld.idx.msk [tilespmem:v0+s3+$0x0], $0xffff  }
0x45: {  	v1 =	vadd.s32 $0x1, v2;
	_ =	sdelay $0x3  }
0x46: {  	[tilespmem:s20+$0x1A700] =	vst v0  }
0x47: {  	v0 =	vld.idx.msk [tilespmem:v1+s3+$0x0], $0xffff;
	_ =	sdelay $0x3  }
0x48: {  	s19 =	sadd.s32 s19, s5;
	s25 =	sor.u32 $0x2, s18  }
0x49: {  	s26 =	sadd.s32 $0x2000, s19;
	s28 =	smul.u32 $0xC3800, s25;
	[tilespmem:s22+$0x1A700] =	vst v0  }
0x4a: {  	[hbm4b:s26+s9] =	stream.strided.scatter [tilespmem:s13], [sflag:$0x1], $0x2000, s10, s9, $0x38;
	[tilespmem:$0x1C700] =	vst v63  }
0x4b: {  	s29 =	sor.u32 s7, s28;
	_ =	swait.ge [sflag:s11], $0x2000  }
0x4c: {  	s18 =	sshrl.u32 s29, $0x3;
	[sflag:s11] =	ssyncset.done $0x0  }
0x4d: {  	s30 =	simm.s32 $0x0;
	s18 =	sadd.s32 s2, s18;
	[sflag:s11] =	ssyncadd.s32 $0xFFFFE000  }
0x4e: {  	[tilespmem:s30], [sflag:$0x1] =	stream.strided.gather [hbm4b:s18+s9], $0x18700, s10, s9, $0x38;
	[tilespmem:$0x1C700] =	vst v63  }
0x4f: {  	_ =	swait.ge [sflag:s11], $0x18700  }
0x50: {  	[sflag:s11] =	ssyncset.done $0x0  }
0x51: {  	[sflag:s11] =	ssyncadd.s32 $0xFFFE7900  }
0x52: {  	[tilespmem:s12], [sflag:$0x1] =	stream.strided.gather [hbm4b:s17+s9], $0x2000, s10, s9, $0x38;
	[tilespmem:$0x1C700] =	vst v63  }
0x53: {  	_ =	swait.ge [sflag:s11], $0x2000  }
0x54: {  	[sflag:s11] =	ssyncset.done $0x0  }
0x55: {  	s18 =	simm.s32 $0x0;
	[sflag:s11] =	ssyncadd.s32 $0xFFFFE000  }
0x56: {  	v0 =	vld [tilespmem:s18+$0x18700];
	_ =	sdelay $0x4  }
0x57: {  	s17 =	simm.s32 $0x10;
	v0 =	vadd.s32 $0x1, v0  }
0x58: {  	v2 =	vld [tilespmem:s17+$0x18700];
	_ =	sdelay $0x3  }
0x59: {  	v1 =	vld.idx.msk [tilespmem:v0+s3+$0x0], $0xffff  }
0x5a: {  	s31 =	sshll.u32 s25, $0x11;
	v0 =	vadd.s32 $0x1, v2  }
0x5b: {  	s21 =	simm.s32 $0xC0;
	s19 =	sor.u32 s7, s31;
	s20 =	simm.s32 $0x20  }
.LBB2_7:
0x5c: {  	p0 =	sne.s32 s21, $0x7FC0;
	v2 =	vld [tilespmem:s20+$0x18700];
	_ =	sdelay $0x1  }
.Ltmp2:
0x5d: {  	[tilespmem:s18+$0x1A700] =	vst v1;
	s18 =	smov.u32 s17;
	s17 =	smov.u32 s20;
	(pc) =	sbr.rel @p0 .LBB2_7-.Ltmp2, $3  }
0x5e: {  	v1 =	vld.idx.msk [tilespmem:v0+s3+$0x0], $0xffff;
	_ =	sdelay $0x1  }
0x5f: {  	v0 =	vadd.s32 $0x1, v2  }
0x60: {  	s20 =	sshra.s32 s21, $0x2;
	s21 =	sadd.s32 $0x40, s21  }
0x61: {  	v2 =	vld [tilespmem:s20+$0x18700];
	_ =	sdelay $0x2  }
0x62: {  	[tilespmem:s18+$0x1A700] =	vst v1  }
0x63: {  	v0 =	vld.idx.msk [tilespmem:v0+s3+$0x0], $0xffff  }
0x64: {  	v1 =	vadd.s32 $0x1, v2;
	_ =	sdelay $0x3  }
0x65: {  	[tilespmem:s17+$0x1A700] =	vst v0  }
0x66: {  	v0 =	vld.idx.msk [tilespmem:v1+s3+$0x0], $0xffff;
	_ =	sdelay $0x3  }
0x67: {  	s17 =	sshrl.u32 s19, $0x3  }
0x68: {  	s31 =	sadd.s32 s5, s17;
	[tilespmem:s20+$0x1A700] =	vst v0  }
0x69: {  	[hbm4b:s31+s9] =	stream.strided.scatter [tilespmem:s13], [sflag:$0x1], $0x2000, s10, s9, $0x38;
	[tilespmem:$0x1C700] =	vst v63  }
0x6a: {  	_ =	swait.ge [sflag:s11], $0x2000  }
0x6b: {  	[sflag:s11] =	ssyncset.done $0x0  }
0x6c: {  	[sflag:s11] =	ssyncadd.s32 $0xFFFFE000  }
0x6d: {  	[tilespmem:s12], [sflag:$0x1] =	stream.strided.gather [hbm4b:s16+s9], $0x2000, s10, s9, $0x38;
	[tilespmem:$0x1C700] =	vst v63  }
0x6e: {  	_ =	swait.ge [sflag:s11], $0x2000  }
0x6f: {  	[sflag:s11] =	ssyncset.done $0x0  }
0x70: {  	s18 =	simm.s32 $0x0;
	[sflag:s11] =	ssyncadd.s32 $0xFFFFE000  }
0x71: {  	v0 =	vld [tilespmem:s18+$0x18700];
	_ =	sdelay $0x4  }
0x72: {  	s16 =	simm.s32 $0x10;
	v0 =	vadd.s32 $0x1, v0  }
0x73: {  	v2 =	vld [tilespmem:s16+$0x18700];
	_ =	sdelay $0x3  }
0x74: {  	v1 =	vld.idx.msk [tilespmem:v0+s3+$0x0], $0xffff  }
0x75: {  	v0 =	vadd.s32 $0x1, v2  }
0x76: {  	s19 =	simm.s32 $0x20;
	s20 =	simm.s32 $0xC0  }
.LBB2_9:
0x77: {  	p0 =	sne.s32 s20, $0x7FC0;
	v2 =	vld [tilespmem:s19+$0x18700];
	_ =	sdelay $0x1  }
.Ltmp3:
0x78: {  	[tilespmem:s18+$0x1A700] =	vst v1;
	s18 =	smov.u32 s16;
	s16 =	smov.u32 s19;
	(pc) =	sbr.rel @p0 .LBB2_9-.Ltmp3, $3  }
0x79: {  	v1 =	vld.idx.msk [tilespmem:v0+s3+$0x0], $0xffff;
	_ =	sdelay $0x1  }
0x7a: {  	v0 =	vadd.s32 $0x1, v2  }
0x7b: {  	s19 =	sshra.s32 s20, $0x2;
	s20 =	sadd.s32 $0x40, s20  }
0x7c: {  	v2 =	vld [tilespmem:s19+$0x18700];
	_ =	sdelay $0x2  }
0x7d: {  	[tilespmem:s18+$0x1A700] =	vst v1  }
0x7e: {  	v0 =	vld.idx.msk [tilespmem:v0+s3+$0x0], $0xffff  }
0x7f: {  	v63 =	vadd.s32 $0x1, v2;
	_ =	sdelay $0x3  }
0x80: {  	[tilespmem:s16+$0x1A700] =	vst v0  }
0x81: {  	v0 =	vld.idx.msk [tilespmem:v63+s3+$0x0], $0xffff;
	_ =	sdelay $0x2  }
0x82: {  	s15 =	sadd.s32 $0x1, s15  }
0x83: {  	s31 =	sadd.s32 s17, s5;
	p0 =	sne.s32 s15, $0xD  }
.Ltmp4:
0x84: {  	s16 =	sadd.s32 $0x2000, s31;
	[tilespmem:s19+$0x1A700] =	vst v0;
	(pc) =	sbr.rel @p0 .LBB2_2-.Ltmp4, $4  }
0x85: {  	[hbm4b:s16+s9] =	stream.strided.scatter [tilespmem:s13], [sflag:$0x1], $0x2000, s10, s9, $0x38;
	[tilespmem:$0x1C700] =	vst v63  }
0x86: {  	_ =	swait.ge [sflag:s11], $0x2000  }
0x87: {  	[sflag:s11] =	ssyncset.done $0x0  }
0x88: {  	[sflag:s11] =	ssyncadd.s32 $0xFFFFE000  }
0x89: {  	s14 =	sadd.s32 $0x1, s14  }
0x8a: {  	p0 =	sne.s32 s14, s8  }
.Ltmp5:
0x8b: {  	_ = 	snop;
	(pc) =	sbr.rel @p0 .LBB2_1-.Ltmp5, $1  }
0x8c: {  	_ =	sdelay $0x3  }
0x8d: {  	_ =	sfence.sel $0x180000  }
0x8e: {  	[bflag:$0x0] =	sbarrier.arrive $0xFFFF  }
0x8f: {  	p0 =	sne.s32 s4, $0x0;
	_ =	strace $0x90000047  }
0x90: {  	s0 =	sadd.s32 @!p0 $0x100000, s0;
	[bflag:$0x2] =	sbarrier.arrive $0xFFFF  }
0x91: {  	[sflag:s0] =	ssyncadd.tile.s32 @!p0 $0x1;
	_ =	shalt  }
.Lfunc_end2:
_tile_overlayer_lowered:
.L_overlay_start_2:
0x92: {  	(tag) =	ssettag $0x2  }
0x93: {  	s0 =	rddreg [dreg:$0x0];
	s2 =	stileid.u32  }
0x94: {  	s1 =	rddreg [dreg:$0x1];
	p0 =	sne.s32 s2, $0x0  }
0x95: {  	s3 =	rddreg [dreg:$0x2];
	[bflag:$0x3] =	sbarrier.arrive $0xFFFF;
	s2 =	simm.s32 @!p0 $0x1C01  }
0x96: {  	[timem:s3], [sflag:s2] =	dma.local @!p0 [hbm:s0], s1  }
0x97: {  	s0 =	simm.s32 @!p0 $0x1  }
0x98: {  	_ =	swait.ge @!p0 [sflag:s0], s1  }
0x99: {  	s1 =	ssub.s32 @!p0 $0x0, s1;
	[sflag:s0] =	ssyncset.done @!p0 $0x0  }
0x9a: {  	[sflag:s0] =	ssyncadd.s32 @!p0 s1  }
0x9b: {  	[bflag:$0x3] =	sbarrier.arrive $0xFFFF  }
0x9c: {  	_ =	shalt  }

</sc_bundles>
